<compile_context>
chip_gen: v7x
topology: tpu7x:2x2x1
jax: 0.10.2.dev20260603
libtpu: 0.0.44.dev20260713+nightly
codegen_flags: <defaults>
</compile_context>

<pallas_src>
import functools

import jax
import jax.numpy as jnp
from jax import lax
from jax.experimental import pallas as pl
from jax.experimental.pallas import tpu as pltpu
from jax.experimental.pallas import tpu_sc as plsc

_NC = 2
_NS = 16
_NW = _NC * _NS

_EB = 256
_ICH = 8
_BIG = 1 << 30


def _sc_gather_rows(table, idx, keep=None):
    n = idx.shape[0]
    d = table.shape[1]
    dk = d if keep is None else keep
    rpw = n // _NW
    mesh = plsc.VectorSubcoreMesh(core_axis_name="c", subcore_axis_name="s")

    nstream = 4 if rpw % 32 == 0 else 1
    seg = rpw // nstream

    @functools.partial(
        pl.kernel,
        mesh=mesh,
        out_type=jax.ShapeDtypeStruct((n, dk), table.dtype),
        scratch_types=[
            pltpu.VMEM((rpw,), jnp.int32),
            pltpu.VMEM((rpw, d), table.dtype),
            [pltpu.SemaphoreType.DMA] * nstream,
        ],
        compiler_params=pltpu.CompilerParams(use_tc_tiling_on_sc=False),
    )
    def gather_kernel(table_hbm, idx_hbm, out_hbm, idx_v, rows_v, sems):
        wid = lax.axis_index("s") * _NC + lax.axis_index("c")
        base = wid * rpw
        pltpu.sync_copy(idx_hbm.at[pl.ds(base, rpw)], idx_v)
        copies = [
            pltpu.async_copy(
                table_hbm.at[idx_v.at[pl.ds(j * seg, seg)]],
                rows_v.at[pl.ds(j * seg, seg)], sems[j])
            for j in range(nstream)
        ]
        for cp in copies:
            cp.wait()
        if dk == d:
            pltpu.sync_copy(rows_v, out_hbm.at[pl.ds(base, rpw)])
        else:
            pltpu.sync_copy(rows_v.at[:, pl.ds(0, dk)],
                            out_hbm.at[pl.ds(base, rpw)])

    return gather_kernel(table, idx)


def _feats_body(ia_ref, ib_ref, g0_ref, g1_ref, g2_ref, out_ref):
    ia = ia_ref[0]
    ib = ib_ref[0]
    eb = ia.shape[0]
    g0 = g0_ref[...]
    g1 = g1_ref[...]
    g2 = g2_ref[...]
    nc = g0.shape[0]
    cp = g0.shape[1]
    cid = lax.broadcasted_iota(jnp.int32, (eb, nc), 1)
    oha = (cid == ia).astype(jnp.float32)
    ohb = (cid == ib).astype(jnp.float32)

    def sdot(x, s):
        return jnp.dot(x, s, preferred_element_type=jnp.float32,
                       precision=lax.Precision.HIGHEST)

    a0 = sdot(oha, g0)
    a1 = sdot(oha, g1)
    a2 = sdot(oha, g2)
    b0 = sdot(ohb, g0)
    b1 = sdot(ohb, g1)
    b2 = sdot(ohb, g2)

    rowmins = []
    for ic in range(cp // _ICH):
        lo = ic * _ICH
        s0 = a0[:, lo:lo + _ICH]
        s1 = a1[:, lo:lo + _ICH]
        s2 = a2[:, lo:lo + _ICH]
        d0 = s0[:, :, None] - b0[:, None, :]
        d1 = s1[:, :, None] - b1[:, None, :]
        d2c = s2[:, :, None] - b2[:, None, :]
        dsq = (d0 * d0 + d1 * d1) + d2c * d2c
        rowmins.append(jnp.min(dsq, axis=2))
    rowmin = jnp.concatenate(rowmins, axis=1)
    dmin = jnp.min(rowmin, axis=1, keepdims=True)
    ks = lax.broadcasted_iota(jnp.int32, (eb, cp), 1)
    i1 = jnp.min(jnp.where(rowmin == dmin, ks, _BIG), axis=1, keepdims=True)
    oh1 = (ks == i1).astype(jnp.float32)
    v10 = jnp.sum(oh1 * a0, axis=1, keepdims=True)
    v11 = jnp.sum(oh1 * a1, axis=1, keepdims=True)
    v12 = jnp.sum(oh1 * a2, axis=1, keepdims=True)
    e0 = v10 - b0
    e1 = v11 - b1
    e2 = v12 - b2
    drow = (e0 * e0 + e1 * e1) + e2 * e2
    i2 = jnp.min(jnp.where(drow == dmin, ks, _BIG), axis=1, keepdims=True)
    oh2 = (ks == i2).astype(jnp.float32)
    v20 = jnp.sum(oh2 * b0, axis=1, keepdims=True)
    v21 = jnp.sum(oh2 * b1, axis=1, keepdims=True)
    v22 = jnp.sum(oh2 * b2, axis=1, keepdims=True)
    dx = v10 - v20
    dy = v11 - v21
    dz = v12 - v22
    lend = jnp.sqrt((dx * dx + dy * dy) + dz * dz)
    safe = jnp.maximum(lend, 1e-30)
    pos = lend > 0
    nx = jnp.where(pos, dx / safe, dx)
    ny = jnp.where(pos, dy / safe, dy)
    nz = jnp.where(pos, dz / safe, dz)
    out_ref[...] = jnp.concatenate(
        [v10, v11, v12, v20, v21, v22, nx, ny, nz, lend,
         nx * nx, nx * ny, nx * nz,
         ny * nx, ny * ny, ny * nz,
         nz * nx, nz * ny, nz * nz], axis=1)


def _edge_feats_tc(ia3, ib3, g0, g1, g2):
    nb = ia3.shape[0]
    e = nb * _EB
    nc, cp = g0.shape
    ispec = pl.BlockSpec((1, _EB, 1), lambda i: (i, 0, 0))
    gspec = pl.BlockSpec((nc, cp), lambda i: (0, 0))
    return pl.pallas_call(
        _feats_body,
        grid=(nb,),
        in_specs=[ispec, ispec, gspec, gspec, gspec],
        out_specs=pl.BlockSpec((_EB, 19), lambda i: (i, 0)),
        out_shape=jax.ShapeDtypeStruct((e, 19), jnp.float32),
    )(ia3, ib3, g0, g1, g2)


def kernel(data, clusts, edge_index):
    e = edge_index.shape[1]
    c = clusts.shape[1]
    voxels8 = jnp.pad(data.astype(jnp.float32), ((0, 0), (0, 3)))
    clusts_flat = clusts.reshape(-1).astype(jnp.int32)
    g = _sc_gather_rows(voxels8, clusts_flat, keep=4)
    gr = g.reshape(clusts.shape[0], c, 4)
    g0 = gr[:, :, 0]
    g1 = gr[:, :, 1]
    g2 = gr[:, :, 2]
    nb = e // _EB
    idx3 = edge_index.reshape(2, nb, _EB, 1).astype(jnp.int32)
    return _edge_feats_tc(idx3[0], idx3[1], g0, g1, g2)

# --- scband reference (transcript-rebuilt; emitter-appended) ---
"""Pipeline reference for scband-clust-geo-edge-encoder-16441134809144 (READ-ONLY COPY).

The authoritative reference and input builder live on the scoring server;
editing this copy changes nothing except your own understanding.
"""

import jax, jax.numpy as jnp
import numpy as np


def setup_inputs(seed: int = 0) -> dict:
    key = jax.random.key(seed)
    k1, k2, k3 = jax.random.split(key, 3)
    data = jax.random.normal(k1, (100000, 5), dtype=jnp.float32)
    clusts = jax.random.randint(k2, (1000, 64), 0, 100000, dtype=jnp.int64)
    edge_index = jax.random.randint(k3, (2, 4096), 0, 1000, dtype=jnp.int64)
    return {"data": data, "clusts": clusts, "edge_index": edge_index}


def reference(data, clusts, edge_index):
    # voxels = data[:, :3]
    voxels = data[:, :3].astype(jnp.float32)
    E = edge_index.shape[1]
    C = clusts.shape[1]
    # gather voxel coordinates for the two clusters of every edge
    x1 = voxels[clusts[edge_index[0]]]  # [E, C, 3]
    x2 = voxels[clusts[edge_index[1]]]  # [E, C, 3]
    # local_cdist: pairwise euclidean distances between the two point sets
    d12 = jnp.sqrt(jnp.sum((x1[:, :, None, :] - x2[:, None, :, :]) ** 2, axis=-1))  # [E, C, C]
    flat = d12.reshape(E, C * C)
    imin = jnp.argmin(flat, axis=1)  # [E]
    i1 = imin // C
    i2 = imin % C
    v1 = jnp.take_along_axis(x1, i1[:, None, None], axis=1)[:, 0, :]  # [E, 3]
    v2 = jnp.take_along_axis(x2, i2[:, None, None], axis=1)[:, 0, :]  # [E, 3]
    disp = v1 - v2
    lend = jnp.sqrt(jnp.sum(disp ** 2, axis=1))  # [E]
    safe = jnp.maximum(lend, 1e-30)
    disp = jnp.where(lend[:, None] > 0, disp / safe[:, None], disp)
    # outer product of the normalized displacement, flattened
    B = (disp[:, :, None] * disp[:, None, :]).reshape(E, 9)
    feats = jnp.concatenate([v1, v2, disp, lend[:, None], B], axis=1)  # [E, 19]
    return feats

if __name__ == "__main__":
    import jax
    _d = setup_inputs()
    print(jax.jit(kernel)(*tuple(_d.values())))

</pallas_src>

<mosaic_0001>
#map = affine_map<(d0, d1) -> (0, 0)>
#map1 = affine_map<(d0, d1) -> (0)>
module attributes {stable_mosaic.version = 14 : i64} {
  func.func @gather_kernel(%arg0: i32, %arg1: i32, %arg2: memref<100000x8xf32, #tpu.memory_space<hbm>>, %arg3: memref<64000xi32, #tpu.memory_space<hbm>>, %arg4: memref<64000x4xf32, #tpu.memory_space<hbm>>, %arg5: memref<2000xi32, #tpu.memory_space<vmem>>, %arg6: memref<2000x8xf32, #tpu.memory_space<vmem>>, %arg7: memref<!tpu.dma_semaphore, #tpu.memory_space<semaphore_mem>>) attributes {dimension_semantics = [#tpu.dimension_semantics<core_parallel>, #tpu.dimension_semantics<subcore_parallel>], iteration_bounds = array<i64: 2, 16>, scalar_prefetch = 0 : i64, scratch_operands = 3 : i64, tpu.core_type = #tpu.core_type<sc_vector_subcore>, window_params = [{transform_indices = #map}, {transform_indices = #map1}, {transform_indices = #map}]} {
    %mul3A = arith.constant 2 : i32
    %mul3A_0 = arith.muli %arg1, %mul3A : i32
    %add3A = arith.addi %mul3A_0, %arg0 : i32
    %mul3A_1 = arith.constant 2000 : i32
    %mul3A_2 = arith.muli %add3A, %mul3A_1 : i32
    "tpu.region"() ({
      %run_scoped3A = tpu.sem_alloc : memref<!tpu.dma_semaphore, #tpu.memory_space<semaphore_mem>>
      %dma_start3A_17 = tpu.memref_slice %arg3[%mul3A_2] : memref<64000xi32, #tpu.memory_space<hbm>> -> memref<2000xi32, #tpu.memory_space<hbm>>
      %dma_start3A_18 = tpu.memref_slice %arg3[%mul3A_2] : memref<64000xi32, #tpu.memory_space<hbm>> -> memref<2000xi32, #tpu.memory_space<hbm>>
      tpu.enqueue_dma source(%dma_start3A_18 : memref<2000xi32, #tpu.memory_space<hbm>>) target(%arg5 : memref<2000xi32, #tpu.memory_space<vmem>>) target_semaphore(%run_scoped3A : memref<!tpu.dma_semaphore, #tpu.memory_space<semaphore_mem>>)
      %dma_wait3A_19 = tpu.memref_slice %arg3[%mul3A_2] : memref<64000xi32, #tpu.memory_space<hbm>> -> memref<2000xi32, #tpu.memory_space<hbm>>
      %dma_wait3A_20 = tpu.memref_slice %arg3[%mul3A_2] : memref<64000xi32, #tpu.memory_space<hbm>> -> memref<2000xi32, #tpu.memory_space<hbm>>
      tpu.wait_dma2 semaphore(%run_scoped3A : memref<!tpu.dma_semaphore, #tpu.memory_space<semaphore_mem>>) src(%dma_wait3A_20 : memref<2000xi32, #tpu.memory_space<hbm>>) dst(%arg5 : memref<2000xi32, #tpu.memory_space<vmem>>)
      tpu.yield
    }) : () -> ()
    %dma_start3A = arith.constant 0 : i32
    %dma_start3A_3 = arith.constant 0 : i32
    %dma_start3A_4 = tpu.memref_slice %arg6[%dma_start3A, %dma_start3A_3] : memref<2000x8xf32, #tpu.memory_space<vmem>> -> memref<2000x8xf32, #tpu.memory_space<vmem>>
    %dma_start3A_5 = arith.constant 0 : i32
    %dma_start3A_6 = tpu.memref_slice %arg5[%dma_start3A_5] : memref<2000xi32, #tpu.memory_space<vmem>> -> memref<2000xi32, #tpu.memory_space<vmem>>
    %dma_start3A_7 = arith.constant 0 : i32
    %dma_start3A_8 = arith.constant 0 : i32
    %dma_start3A_9 = tpu.memref_slice %arg2[%dma_start3A_7, %dma_start3A_8] : memref<100000x8xf32, #tpu.memory_space<hbm>> -> memref<100000x8xf32, #tpu.memory_space<hbm>>
    tpu.enqueue_indirect_dma source(%dma_start3A_9 : memref<100000x8xf32, #tpu.memory_space<hbm>>) target(%dma_start3A_4 : memref<2000x8xf32, #tpu.memory_space<vmem>>) offsets(%dma_start3A_6 : memref<2000xi32, #tpu.memory_space<vmem>>) semaphore(%arg7 : memref<!tpu.dma_semaphore, #tpu.memory_space<semaphore_mem>>)
    %dma_wait3A = arith.constant 0 : i32
    %dma_wait3A_10 = arith.constant 0 : i32
    %dma_wait3A_11 = tpu.memref_slice %arg6[%dma_wait3A, %dma_wait3A_10] : memref<2000x8xf32, #tpu.memory_space<vmem>> -> memref<2000x8xf32, #tpu.memory_space<vmem>>
    %dma_wait3A_12 = arith.constant 0 : i32
    %dma_wait3A_13 = tpu.memref_slice %arg5[%dma_wait3A_12] : memref<2000xi32, #tpu.memory_space<vmem>> -> memref<2000xi32, #tpu.memory_space<vmem>>
    %dma_wait3A_14 = arith.constant 0 : i32
    %dma_wait3A_15 = arith.constant 0 : i32
    %dma_wait3A_16 = tpu.memref_slice %arg2[%dma_wait3A_14, %dma_wait3A_15] : memref<100000x8xf32, #tpu.memory_space<hbm>> -> memref<100000x8xf32, #tpu.memory_space<hbm>>
    tpu.wait_indirect_dma semaphore(%arg7 : memref<!tpu.dma_semaphore, #tpu.memory_space<semaphore_mem>>) src(%dma_wait3A_16 : memref<100000x8xf32, #tpu.memory_space<hbm>>) dst(%dma_wait3A_11 : memref<2000x8xf32, #tpu.memory_space<vmem>>)
    "tpu.region"() ({
      %run_scoped3A = tpu.sem_alloc : memref<!tpu.dma_semaphore, #tpu.memory_space<semaphore_mem>>
      %dma_start3A_17 = arith.constant 0 : i32
      %dma_start3A_18 = arith.constant 0 : i32
      %dma_start3A_19 = tpu.memref_slice %arg6[%dma_start3A_17, %dma_start3A_18] : memref<2000x8xf32, #tpu.memory_space<vmem>> -> memref<2000x4xf32, #tpu.memory_space<vmem>>
      %dma_start3A_20 = arith.constant 0 : i32
      %dma_start3A_21 = tpu.memref_slice %arg4[%mul3A_2, %dma_start3A_20] : memref<64000x4xf32, #tpu.memory_space<hbm>> -> memref<2000x4xf32, #tpu.memory_space<hbm>>
      %dma_start3A_22 = arith.constant 0 : i32
      %dma_start3A_23 = tpu.memref_slice %arg4[%mul3A_2, %dma_start3A_22] : memref<64000x4xf32, #tpu.memory_space<hbm>> -> memref<2000x4xf32, #tpu.memory_space<hbm>>
      %dma_start3A_24 = arith.constant 0 : i32
      %dma_start3A_25 = arith.constant 0 : i32
      %dma_start3A_26 = tpu.memref_slice %arg6[%dma_start3A_24, %dma_start3A_25] : memref<2000x8xf32, #tpu.memory_space<vmem>> -> memref<2000x4xf32, #tpu.memory_space<vmem>>
      tpu.enqueue_dma source(%dma_start3A_26 : memref<2000x4xf32, #tpu.memory_space<vmem>>) target(%dma_start3A_23 : memref<2000x4xf32, #tpu.memory_space<hbm>>) target_semaphore(%run_scoped3A : memref<!tpu.dma_semaphore, #tpu.memory_space<semaphore_mem>>)
      %dma_wait3A_27 = arith.constant 0 : i32
      %dma_wait3A_28 = arith.constant 0 : i32
      %dma_wait3A_29 = tpu.memref_slice %arg6[%dma_wait3A_27, %dma_wait3A_28] : memref<2000x8xf32, #tpu.memory_space<vmem>> -> memref<2000x4xf32, #tpu.memory_space<vmem>>
      %dma_wait3A_30 = arith.constant 0 : i32
      %dma_wait3A_31 = tpu.memref_slice %arg4[%mul3A_2, %dma_wait3A_30] : memref<64000x4xf32, #tpu.memory_space<hbm>> -> memref<2000x4xf32, #tpu.memory_space<hbm>>
      %dma_wait3A_32 = arith.constant 0 : i32
      %dma_wait3A_33 = tpu.memref_slice %arg4[%mul3A_2, %dma_wait3A_32] : memref<64000x4xf32, #tpu.memory_space<hbm>> -> memref<2000x4xf32, #tpu.memory_space<hbm>>
      %dma_wait3A_34 = arith.constant 0 : i32
      %dma_wait3A_35 = arith.constant 0 : i32
      %dma_wait3A_36 = tpu.memref_slice %arg6[%dma_wait3A_34, %dma_wait3A_35] : memref<2000x8xf32, #tpu.memory_space<vmem>> -> memref<2000x4xf32, #tpu.memory_space<vmem>>
      tpu.wait_dma2 semaphore(%run_scoped3A : memref<!tpu.dma_semaphore, #tpu.memory_space<semaphore_mem>>) src(%dma_wait3A_36 : memref<2000x4xf32, #tpu.memory_space<vmem>>) dst(%dma_wait3A_33 : memref<2000x4xf32, #tpu.memory_space<hbm>>)
      tpu.yield
    }) : () -> ()
    return
  }
}

module attributes {stable_mosaic.version = 14 : i64} {
  func.func @_feats_body(%arg0: i32, %arg1: memref<1x256x1xi32, #tpu.memory_space<vmem>>, %arg2: memref<1x256x1xi32, #tpu.memory_space<vmem>>, %arg3: memref<1000x64xf32, #tpu.memory_space<vmem>>, %arg4: memref<1000x64xf32, #tpu.memory_space<vmem>>, %arg5: memref<1000x64xf32, #tpu.memory_space<vmem>>, %arg6: memref<256x19xf32, #tpu.memory_space<vmem>>) attributes {dimension_semantics = [#tpu.dimension_semantics<arbitrary>], iteration_bounds = array<i64: 16>, scalar_prefetch = 0 : i64, scratch_operands = 0 : i64, tpu.core_type = #tpu.core_type<tc>, window_params = [{transform_indices = @transform_0, window_bounds = array<i64: 1, 256, 1>}, {transform_indices = @transform_1, window_bounds = array<i64: 1, 256, 1>}, {pipeline_mode = #tpu.pipeline_mode<synchronous>, transform_indices = @transform_2, window_bounds = array<i64: 1000, 64>}, {pipeline_mode = #tpu.pipeline_mode<synchronous>, transform_indices = @transform_3, window_bounds = array<i64: 1000, 64>}, {pipeline_mode = #tpu.pipeline_mode<synchronous>, transform_indices = @transform_4, window_bounds = array<i64: 1000, 64>}, {transform_indices = @transform_5, window_bounds = array<i64: 256, 19>}]} {
    %get3A = arith.constant 0 : index
    %get3A_0 = arith.constant 0 : index
    %get3A_1 = arith.constant 0 : index
    %get3A_2 = vector.load %arg1[%get3A, %get3A_0, %get3A_1] : memref<1x256x1xi32, #tpu.memory_space<vmem>>, vector<1x256x1xi32>
    %get3A_3 = vector.shape_cast %get3A_2 : vector<1x256x1xi32> to vector<256x1xi32>
    %get3A_4 = arith.constant 0 : index
    %get3A_5 = arith.constant 0 : index
    %get3A_6 = arith.constant 0 : index
    %get3A_7 = vector.load %arg2[%get3A_4, %get3A_5, %get3A_6] : memref<1x256x1xi32, #tpu.memory_space<vmem>>, vector<1x256x1xi32>
    %get3A_8 = vector.shape_cast %get3A_7 : vector<1x256x1xi32> to vector<256x1xi32>
    %get3A_9 = arith.constant 0 : index
    %get3A_10 = arith.constant 0 : index
    %get3A_11 = vector.load %arg3[%get3A_9, %get3A_10] : memref<1000x64xf32, #tpu.memory_space<vmem>>, vector<1000x64xf32>
    %get3A_12 = arith.constant 0 : index
    %get3A_13 = arith.constant 0 : index
    %get3A_14 = vector.load %arg4[%get3A_12, %get3A_13] : memref<1000x64xf32, #tpu.memory_space<vmem>>, vector<1000x64xf32>
    %get3A_15 = arith.constant 0 : index
    %get3A_16 = arith.constant 0 : index
    %get3A_17 = vector.load %arg5[%get3A_15, %get3A_16] : memref<1000x64xf32, #tpu.memory_space<vmem>>, vector<1000x64xf32>
    %iota3A = tpu.iota {dimensions = array<i32: 1>} : vector<256x1000xi32>
    %eq3A = vector.broadcast %get3A_3 : vector<256x1xi32> to vector<256x1000xi32>
    %eq3A_18 = arith.cmpi eq, %iota3A, %eq3A : vector<256x1000xi32>
    %convert_element_type3A = arith.extui %eq3A_18 : vector<256x1000xi1> to vector<256x1000xi32>
    %convert_element_type3A_19 = arith.sitofp %convert_element_type3A : vector<256x1000xi32> to vector<256x1000xf32>
    %eq3A_20 = vector.broadcast %get3A_8 : vector<256x1xi32> to vector<256x1000xi32>
    %eq3A_21 = arith.cmpi eq, %iota3A, %eq3A_20 : vector<256x1000xi32>
    %convert_element_type3A_22 = arith.extui %eq3A_21 : vector<256x1000xi1> to vector<256x1000xi32>
    %convert_element_type3A_23 = arith.sitofp %convert_element_type3A_22 : vector<256x1000xi32> to vector<256x1000xf32>
    %dot_general3A = arith.constant dense<0.000000e+00> : vector<256x64xf32>
    %dot_general3A_24 = tpu.matmul %convert_element_type3A_19, %get3A_11, %dot_general3A {dimension_numbers = #tpu.dot_dimension_numbers<[1], [0], [0], [1], [0, 0, 1, 1], [], []>, precision = #tpu.contract_precision<fp32>, transpose_lhs_hint = false} : vector<256x1000xf32>, vector<1000x64xf32>, vector<256x64xf32> -> vector<256x64xf32>
    %dot_general3A_25 = arith.constant dense<0.000000e+00> : vector<256x64xf32>
    %dot_general3A_26 = tpu.matmul %convert_element_type3A_19, %get3A_14, %dot_general3A_25 {dimension_numbers = #tpu.dot_dimension_numbers<[1], [0], [0], [1], [0, 0, 1, 1], [], []>, precision = #tpu.contract_precision<fp32>, transpose_lhs_hint = false} : vector<256x1000xf32>, vector<1000x64xf32>, vector<256x64xf32> -> vector<256x64xf32>
    %dot_general3A_27 = arith.constant dense<0.000000e+00> : vector<256x64xf32>
    %dot_general3A_28 = tpu.matmul %convert_element_type3A_19, %get3A_17, %dot_general3A_27 {dimension_numbers = #tpu.dot_dimension_numbers<[1], [0], [0], [1], [0, 0, 1, 1], [], []>, precision = #tpu.contract_precision<fp32>, transpose_lhs_hint = false} : vector<256x1000xf32>, vector<1000x64xf32>, vector<256x64xf32> -> vector<256x64xf32>
    %dot_general3A_29 = arith.constant dense<0.000000e+00> : vector<256x64xf32>
    %dot_general3A_30 = tpu.matmul %convert_element_type3A_23, %get3A_11, %dot_general3A_29 {dimension_numbers = #tpu.dot_dimension_numbers<[1], [0], [0], [1], [0, 0, 1, 1], [], []>, precision = #tpu.contract_precision<fp32>, transpose_lhs_hint = false} : vector<256x1000xf32>, vector<1000x64xf32>, vector<256x64xf32> -> vector<256x64xf32>
    %dot_general3A_31 = arith.constant dense<0.000000e+00> : vector<256x64xf32>
    %dot_general3A_32 = tpu.matmul %convert_element_type3A_23, %get3A_14, %dot_general3A_31 {dimension_numbers = #tpu.dot_dimension_numbers<[1], [0], [0], [1], [0, 0, 1, 1], [], []>, precision = #tpu.contract_precision<fp32>, transpose_lhs_hint = false} : vector<256x1000xf32>, vector<1000x64xf32>, vector<256x64xf32> -> vector<256x64xf32>
    %dot_general3A_33 = arith.constant dense<0.000000e+00> : vector<256x64xf32>
    %dot_general3A_34 = tpu.matmul %convert_element_type3A_23, %get3A_17, %dot_general3A_33 {dimension_numbers = #tpu.dot_dimension_numbers<[1], [0], [0], [1], [0, 0, 1, 1], [], []>, precision = #tpu.contract_precision<fp32>, transpose_lhs_hint = false} : vector<256x1000xf32>, vector<1000x64xf32>, vector<256x64xf32> -> vector<256x64xf32>
    %slice3A = vector.extract_strided_slice %dot_general3A_24 {offsets = [0, 0], sizes = [256, 8], strides = [1, 1]} : vector<256x64xf32> to vector<256x8xf32>
    %slice3A_35 = vector.extract_strided_slice %dot_general3A_26 {offsets = [0, 0], sizes = [256, 8], strides = [1, 1]} : vector<256x64xf32> to vector<256x8xf32>
    %slice3A_36 = vector.extract_strided_slice %dot_general3A_28 {offsets = [0, 0], sizes = [256, 8], strides = [1, 1]} : vector<256x64xf32> to vector<256x8xf32>
    %broadcast_in_dim3A = vector.shape_cast %slice3A : vector<256x8xf32> to vector<256x8x1xf32>
    %broadcast_in_dim3A_37 = vector.shape_cast %dot_general3A_30 : vector<256x64xf32> to vector<256x1x64xf32>
    %sub3A = vector.broadcast %broadcast_in_dim3A : vector<256x8x1xf32> to vector<256x8x64xf32>
    %sub3A_38 = vector.broadcast %broadcast_in_dim3A_37 : vector<256x1x64xf32> to vector<256x8x64xf32>
    %sub3A_39 = arith.subf %sub3A, %sub3A_38 : vector<256x8x64xf32>
    %broadcast_in_dim3A_40 = vector.shape_cast %slice3A_35 : vector<256x8xf32> to vector<256x8x1xf32>
    %broadcast_in_dim3A_41 = vector.shape_cast %dot_general3A_32 : vector<256x64xf32> to vector<256x1x64xf32>
    %sub3A_42 = vector.broadcast %broadcast_in_dim3A_40 : vector<256x8x1xf32> to vector<256x8x64xf32>
    %sub3A_43 = vector.broadcast %broadcast_in_dim3A_41 : vector<256x1x64xf32> to vector<256x8x64xf32>
    %sub3A_44 = arith.subf %sub3A_42, %sub3A_43 : vector<256x8x64xf32>
    %broadcast_in_dim3A_45 = vector.shape_cast %slice3A_36 : vector<256x8xf32> to vector<256x8x1xf32>
    %broadcast_in_dim3A_46 = vector.shape_cast %dot_general3A_34 : vector<256x64xf32> to vector<256x1x64xf32>
    %sub3A_47 = vector.broadcast %broadcast_in_dim3A_45 : vector<256x8x1xf32> to vector<256x8x64xf32>
    %sub3A_48 = vector.broadcast %broadcast_in_dim3A_46 : vector<256x1x64xf32> to vector<256x8x64xf32>
    %sub3A_49 = arith.subf %sub3A_47, %sub3A_48 : vector<256x8x64xf32>
    %mul3A = arith.mulf %sub3A_39, %sub3A_39 : vector<256x8x64xf32>
    %mul3A_50 = arith.mulf %sub3A_44, %sub3A_44 : vector<256x8x64xf32>
    %add3A = arith.addf %mul3A, %mul3A_50 : vector<256x8x64xf32>
    %mul3A_51 = arith.mulf %sub3A_49, %sub3A_49 : vector<256x8x64xf32>
    %add3A_52 = arith.addf %add3A, %mul3A_51 : vector<256x8x64xf32>
    %reduce_min3A = arith.constant dense<0x7F800000> : vector<256x8xf32>
    %reduce_min3A_53 = vector.multi_reduction <minimumf>, %add3A_52, %reduce_min3A [2] : vector<256x8x64xf32> to vector<256x8xf32>
    %slice3A_54 = vector.extract_strided_slice %dot_general3A_24 {offsets = [0, 8], sizes = [256, 8], strides = [1, 1]} : vector<256x64xf32> to vector<256x8xf32>
    %slice3A_55 = vector.extract_strided_slice %dot_general3A_26 {offsets = [0, 8], sizes = [256, 8], strides = [1, 1]} : vector<256x64xf32> to vector<256x8xf32>
    %slice3A_56 = vector.extract_strided_slice %dot_general3A_28 {offsets = [0, 8], sizes = [256, 8], strides = [1, 1]} : vector<256x64xf32> to vector<256x8xf32>
    %broadcast_in_dim3A_57 = vector.shape_cast %slice3A_54 : vector<256x8xf32> to vector<256x8x1xf32>
    %broadcast_in_dim3A_58 = vector.shape_cast %dot_general3A_30 : vector<256x64xf32> to vector<256x1x64xf32>
    %sub3A_59 = vector.broadcast %broadcast_in_dim3A_57 : vector<256x8x1xf32> to vector<256x8x64xf32>
    %sub3A_60 = vector.broadcast %broadcast_in_dim3A_58 : vector<256x1x64xf32> to vector<256x8x64xf32>
    %sub3A_61 = arith.subf %sub3A_59, %sub3A_60 : vector<256x8x64xf32>
    %broadcast_in_dim3A_62 = vector.shape_cast %slice3A_55 : vector<256x8xf32> to vector<256x8x1xf32>
    %broadcast_in_dim3A_63 = vector.shape_cast %dot_general3A_32 : vector<256x64xf32> to vector<256x1x64xf32>
    %sub3A_64 = vector.broadcast %broadcast_in_dim3A_62 : vector<256x8x1xf32> to vector<256x8x64xf32>
    %sub3A_65 = vector.broadcast %broadcast_in_dim3A_63 : vector<256x1x64xf32> to vector<256x8x64xf32>
    %sub3A_66 = arith.subf %sub3A_64, %sub3A_65 : vector<256x8x64xf32>
    %broadcast_in_dim3A_67 = vector.shape_cast %slice3A_56 : vector<256x8xf32> to vector<256x8x1xf32>
    %broadcast_in_dim3A_68 = vector.shape_cast %dot_general3A_34 : vector<256x64xf32> to vector<256x1x64xf32>
    %sub3A_69 = vector.broadcast %broadcast_in_dim3A_67 : vector<256x8x1xf32> to vector<256x8x64xf32>
    %sub3A_70 = vector.broadcast %broadcast_in_dim3A_68 : vector<256x1x64xf32> to vector<256x8x64xf32>
    %sub3A_71 = arith.subf %sub3A_69, %sub3A_70 : vector<256x8x64xf32>
    %mul3A_72 = arith.mulf %sub3A_61, %sub3A_61 : vector<256x8x64xf32>
    %mul3A_73 = arith.mulf %sub3A_66, %sub3A_66 : vector<256x8x64xf32>
    %add3A_74 = arith.addf %mul3A_72, %mul3A_73 : vector<256x8x64xf32>
    %mul3A_75 = arith.mulf %sub3A_71, %sub3A_71 : vector<256x8x64xf32>
    %add3A_76 = arith.addf %add3A_74, %mul3A_75 : vector<256x8x64xf32>
    %reduce_min3A_77 = arith.constant dense<0x7F800000> : vector<256x8xf32>
    %reduce_min3A_78 = vector.multi_reduction <minimumf>, %add3A_76, %reduce_min3A_77 [2] : vector<256x8x64xf32> to vector<256x8xf32>
    %slice3A_79 = vector.extract_strided_slice %dot_general3A_24 {offsets = [0, 16], sizes = [256, 8], strides = [1, 1]} : vector<256x64xf32> to vector<256x8xf32>
    %slice3A_80 = vector.extract_strided_slice %dot_general3A_26 {offsets = [0, 16], sizes = [256, 8], strides = [1, 1]} : vector<256x64xf32> to vector<256x8xf32>
    %slice3A_81 = vector.extract_strided_slice %dot_general3A_28 {offsets = [0, 16], sizes = [256, 8], strides = [1, 1]} : vector<256x64xf32> to vector<256x8xf32>
    %broadcast_in_dim3A_82 = vector.shape_cast %slice3A_79 : vector<256x8xf32> to vector<256x8x1xf32>
    %broadcast_in_dim3A_83 = vector.shape_cast %dot_general3A_30 : vector<256x64xf32> to vector<256x1x64xf32>
    %sub3A_84 = vector.broadcast %broadcast_in_dim3A_82 : vector<256x8x1xf32> to vector<256x8x64xf32>
    %sub3A_85 = vector.broadcast %broadcast_in_dim3A_83 : vector<256x1x64xf32> to vector<256x8x64xf32>
    %sub3A_86 = arith.subf %sub3A_84, %sub3A_85 : vector<256x8x64xf32>
    %broadcast_in_dim3A_87 = vector.shape_cast %slice3A_80 : vector<256x8xf32> to vector<256x8x1xf32>
    %broadcast_in_dim3A_88 = vector.shape_cast %dot_general3A_32 : vector<256x64xf32> to vector<256x1x64xf32>
    %sub3A_89 = vector.broadcast %broadcast_in_dim3A_87 : vector<256x8x1xf32> to vector<256x8x64xf32>
    %sub3A_90 = vector.broadcast %broadcast_in_dim3A_88 : vector<256x1x64xf32> to vector<256x8x64xf32>
    %sub3A_91 = arith.subf %sub3A_89, %sub3A_90 : vector<256x8x64xf32>
    %broadcast_in_dim3A_92 = vector.shape_cast %slice3A_81 : vector<256x8xf32> to vector<256x8x1xf32>
    %broadcast_in_dim3A_93 = vector.shape_cast %dot_general3A_34 : vector<256x64xf32> to vector<256x1x64xf32>
    %sub3A_94 = vector.broadcast %broadcast_in_dim3A_92 : vector<256x8x1xf32> to vector<256x8x64xf32>
    %sub3A_95 = vector.broadcast %broadcast_in_dim3A_93 : vector<256x1x64xf32> to vector<256x8x64xf32>
    %sub3A_96 = arith.subf %sub3A_94, %sub3A_95 : vector<256x8x64xf32>
    %mul3A_97 = arith.mulf %sub3A_86, %sub3A_86 : vector<256x8x64xf32>
    %mul3A_98 = arith.mulf %sub3A_91, %sub3A_91 : vector<256x8x64xf32>
    %add3A_99 = arith.addf %mul3A_97, %mul3A_98 : vector<256x8x64xf32>
    %mul3A_100 = arith.mulf %sub3A_96, %sub3A_96 : vector<256x8x64xf32>
    %add3A_101 = arith.addf %add3A_99, %mul3A_100 : vector<256x8x64xf32>
    %reduce_min3A_102 = arith.constant dense<0x7F800000> : vector<256x8xf32>
    %reduce_min3A_103 = vector.multi_reduction <minimumf>, %add3A_101, %reduce_min3A_102 [2] : vector<256x8x64xf32> to vector<256x8xf32>
    %slice3A_104 = vector.extract_strided_slice %dot_general3A_24 {offsets = [0, 24], sizes = [256, 8], strides = [1, 1]} : vector<256x64xf32> to vector<256x8xf32>
    %slice3A_105 = vector.extract_strided_slice %dot_general3A_26 {offsets = [0, 24], sizes = [256, 8], strides = [1, 1]} : vector<256x64xf32> to vector<256x8xf32>
    %slice3A_106 = vector.extract_strided_slice %dot_general3A_28 {offsets = [0, 24], sizes = [256, 8], strides = [1, 1]} : vector<256x64xf32> to vector<256x8xf32>
    %broadcast_in_dim3A_107 = vector.shape_cast %slice3A_104 : vector<256x8xf32> to vector<256x8x1xf32>
    %broadcast_in_dim3A_108 = vector.shape_cast %dot_general3A_30 : vector<256x64xf32> to vector<256x1x64xf32>
    %sub3A_109 = vector.broadcast %broadcast_in_dim3A_107 : vector<256x8x1xf32> to vector<256x8x64xf32>
    %sub3A_110 = vector.broadcast %broadcast_in_dim3A_108 : vector<256x1x64xf32> to vector<256x8x64xf32>
    %sub3A_111 = arith.subf %sub3A_109, %sub3A_110 : vector<256x8x64xf32>
    %broadcast_in_dim3A_112 = vector.shape_cast %slice3A_105 : vector<256x8xf32> to vector<256x8x1xf32>
    %broadcast_in_dim3A_113 = vector.shape_cast %dot_general3A_32 : vector<256x64xf32> to vector<256x1x64xf32>
    %sub3A_114 = vector.broadcast %broadcast_in_dim3A_112 : vector<256x8x1xf32> to vector<256x8x64xf32>
    %sub3A_115 = vector.broadcast %broadcast_in_dim3A_113 : vector<256x1x64xf32> to vector<256x8x64xf32>
    %sub3A_116 = arith.subf %sub3A_114, %sub3A_115 : vector<256x8x64xf32>
    %broadcast_in_dim3A_117 = vector.shape_cast %slice3A_106 : vector<256x8xf32> to vector<256x8x1xf32>
    %broadcast_in_dim3A_118 = vector.shape_cast %dot_general3A_34 : vector<256x64xf32> to vector<256x1x64xf32>
    %sub3A_119 = vector.broadcast %broadcast_in_dim3A_117 : vector<256x8x1xf32> to vector<256x8x64xf32>
    %sub3A_120 = vector.broadcast %broadcast_in_dim3A_118 : vector<256x1x64xf32> to vector<256x8x64xf32>
    %sub3A_121 = arith.subf %sub3A_119, %sub3A_120 : vector<256x8x64xf32>
    %mul3A_122 = arith.mulf %sub3A_111, %sub3A_111 : vector<256x8x64xf32>
    %mul3A_123 = arith.mulf %sub3A_116, %sub3A_116 : vector<256x8x64xf32>
    %add3A_124 = arith.addf %mul3A_122, %mul3A_123 : vector<256x8x64xf32>
    %mul3A_125 = arith.mulf %sub3A_121, %sub3A_121 : vector<256x8x64xf32>
    %add3A_126 = arith.addf %add3A_124, %mul3A_125 : vector<256x8x64xf32>
    %reduce_min3A_127 = arith.constant dense<0x7F800000> : vector<256x8xf32>
    %reduce_min3A_128 = vector.multi_reduction <minimumf>, %add3A_126, %reduce_min3A_127 [2] : vector<256x8x64xf32> to vector<256x8xf32>
    %slice3A_129 = vector.extract_strided_slice %dot_general3A_24 {offsets = [0, 32], sizes = [256, 8], strides = [1, 1]} : vector<256x64xf32> to vector<256x8xf32>
    %slice3A_130 = vector.extract_strided_slice %dot_general3A_26 {offsets = [0, 32], sizes = [256, 8], strides = [1, 1]} : vector<256x64xf32> to vector<256x8xf32>
    %slice3A_131 = vector.extract_strided_slice %dot_general3A_28 {offsets = [0, 32], sizes = [256, 8], strides = [1, 1]} : vector<256x64xf32> to vector<256x8xf32>
    %broadcast_in_dim3A_132 = vector.shape_cast %slice3A_129 : vector<256x8xf32> to vector<256x8x1xf32>
    %broadcast_in_dim3A_133 = vector.shape_cast %dot_general3A_30 : vector<256x64xf32> to vector<256x1x64xf32>
    %sub3A_134 = vector.broadcast %broadcast_in_dim3A_132 : vector<256x8x1xf32> to vector<256x8x64xf32>
    %sub3A_135 = vector.broadcast %broadcast_in_dim3A_133 : vector<256x1x64xf32> to vector<256x8x64xf32>
    %sub3A_136 = arith.subf %sub3A_134, %sub3A_135 : vector<256x8x64xf32>
    %broadcast_in_dim3A_137 = vector.shape_cast %slice3A_130 : vector<256x8xf32> to vector<256x8x1xf32>
    %broadcast_in_dim3A_138 = vector.shape_cast %dot_general3A_32 : vector<256x64xf32> to vector<256x1x64xf32>
    %sub3A_139 = vector.broadcast %broadcast_in_dim3A_137 : vector<256x8x1xf32> to vector<256x8x64xf32>
    %sub3A_140 = vector.broadcast %broadcast_in_dim3A_138 : vector<256x1x64xf32> to vector<256x8x64xf32>
    %sub3A_141 = arith.subf %sub3A_139, %sub3A_140 : vector<256x8x64xf32>
    %broadcast_in_dim3A_142 = vector.shape_cast %slice3A_131 : vector<256x8xf32> to vector<256x8x1xf32>
    %broadcast_in_dim3A_143 = vector.shape_cast %dot_general3A_34 : vector<256x64xf32> to vector<256x1x64xf32>
    %sub3A_144 = vector.broadcast %broadcast_in_dim3A_142 : vector<256x8x1xf32> to vector<256x8x64xf32>
    %sub3A_145 = vector.broadcast %broadcast_in_dim3A_143 : vector<256x1x64xf32> to vector<256x8x64xf32>
    %sub3A_146 = arith.subf %sub3A_144, %sub3A_145 : vector<256x8x64xf32>
    %mul3A_147 = arith.mulf %sub3A_136, %sub3A_136 : vector<256x8x64xf32>
    %mul3A_148 = arith.mulf %sub3A_141, %sub3A_141 : vector<256x8x64xf32>
    %add3A_149 = arith.addf %mul3A_147, %mul3A_148 : vector<256x8x64xf32>
    %mul3A_150 = arith.mulf %sub3A_146, %sub3A_146 : vector<256x8x64xf32>
    %add3A_151 = arith.addf %add3A_149, %mul3A_150 : vector<256x8x64xf32>
    %reduce_min3A_152 = arith.constant dense<0x7F800000> : vector<256x8xf32>
    %reduce_min3A_153 = vector.multi_reduction <minimumf>, %add3A_151, %reduce_min3A_152 [2] : vector<256x8x64xf32> to vector<256x8xf32>
    %slice3A_154 = vector.extract_strided_slice %dot_general3A_24 {offsets = [0, 40], sizes = [256, 8], strides = [1, 1]} : vector<256x64xf32> to vector<256x8xf32>
    %slice3A_155 = vector.extract_strided_slice %dot_general3A_26 {offsets = [0, 40], sizes = [256, 8], strides = [1, 1]} : vector<256x64xf32> to vector<256x8xf32>
    %slice3A_156 = vector.extract_strided_slice %dot_general3A_28 {offsets = [0, 40], sizes = [256, 8], strides = [1, 1]} : vector<256x64xf32> to vector<256x8xf32>
    %broadcast_in_dim3A_157 = vector.shape_cast %slice3A_154 : vector<256x8xf32> to vector<256x8x1xf32>
    %broadcast_in_dim3A_158 = vector.shape_cast %dot_general3A_30 : vector<256x64xf32> to vector<256x1x64xf32>
    %sub3A_159 = vector.broadcast %broadcast_in_dim3A_157 : vector<256x8x1xf32> to vector<256x8x64xf32>
    %sub3A_160 = vector.broadcast %broadcast_in_dim3A_158 : vector<256x1x64xf32> to vector<256x8x64xf32>
    %sub3A_161 = arith.subf %sub3A_159, %sub3A_160 : vector<256x8x64xf32>
    %broadcast_in_dim3A_162 = vector.shape_cast %slice3A_155 : vector<256x8xf32> to vector<256x8x1xf32>
    %broadcast_in_dim3A_163 = vector.shape_cast %dot_general3A_32 : vector<256x64xf32> to vector<256x1x64xf32>
    %sub3A_164 = vector.broadcast %broadcast_in_dim3A_162 : vector<256x8x1xf32> to vector<256x8x64xf32>
    %sub3A_165 = vector.broadcast %broadcast_in_dim3A_163 : vector<256x1x64xf32> to vector<256x8x64xf32>
    %sub3A_166 = arith.subf %sub3A_164, %sub3A_165 : vector<256x8x64xf32>
    %broadcast_in_dim3A_167 = vector.shape_cast %slice3A_156 : vector<256x8xf32> to vector<256x8x1xf32>
    %broadcast_in_dim3A_168 = vector.shape_cast %dot_general3A_34 : vector<256x64xf32> to vector<256x1x64xf32>
    %sub3A_169 = vector.broadcast %broadcast_in_dim3A_167 : vector<256x8x1xf32> to vector<256x8x64xf32>
    %sub3A_170 = vector.broadcast %broadcast_in_dim3A_168 : vector<256x1x64xf32> to vector<256x8x64xf32>
    %sub3A_171 = arith.subf %sub3A_169, %sub3A_170 : vector<256x8x64xf32>
    %mul3A_172 = arith.mulf %sub3A_161, %sub3A_161 : vector<256x8x64xf32>
    %mul3A_173 = arith.mulf %sub3A_166, %sub3A_166 : vector<256x8x64xf32>
    %add3A_174 = arith.addf %mul3A_172, %mul3A_173 : vector<256x8x64xf32>
    %mul3A_175 = arith.mulf %sub3A_171, %sub3A_171 : vector<256x8x64xf32>
    %add3A_176 = arith.addf %add3A_174, %mul3A_175 : vector<256x8x64xf32>
    %reduce_min3A_177 = arith.constant dense<0x7F800000> : vector<256x8xf32>
    %reduce_min3A_178 = vector.multi_reduction <minimumf>, %add3A_176, %reduce_min3A_177 [2] : vector<256x8x64xf32> to vector<256x8xf32>
    %slice3A_179 = vector.extract_strided_slice %dot_general3A_24 {offsets = [0, 48], sizes = [256, 8], strides = [1, 1]} : vector<256x64xf32> to vector<256x8xf32>
    %slice3A_180 = vector.extract_strided_slice %dot_general3A_26 {offsets = [0, 48], sizes = [256, 8], strides = [1, 1]} : vector<256x64xf32> to vector<256x8xf32>
    %slice3A_181 = vector.extract_strided_slice %dot_general3A_28 {offsets = [0, 48], sizes = [256, 8], strides = [1, 1]} : vector<256x64xf32> to vector<256x8xf32>
    %broadcast_in_dim3A_182 = vector.shape_cast %slice3A_179 : vector<256x8xf32> to vector<256x8x1xf32>
    %broadcast_in_dim3A_183 = vector.shape_cast %dot_general3A_30 : vector<256x64xf32> to vector<256x1x64xf32>
    %sub3A_184 = vector.broadcast %broadcast_in_dim3A_182 : vector<256x8x1xf32> to vector<256x8x64xf32>
    %sub3A_185 = vector.broadcast %broadcast_in_dim3A_183 : vector<256x1x64xf32> to vector<256x8x64xf32>
    %sub3A_186 = arith.subf %sub3A_184, %sub3A_185 : vector<256x8x64xf32>
    %broadcast_in_dim3A_187 = vector.shape_cast %slice3A_180 : vector<256x8xf32> to vector<256x8x1xf32>
    %broadcast_in_dim3A_188 = vector.shape_cast %dot_general3A_32 : vector<256x64xf32> to vector<256x1x64xf32>
    %sub3A_189 = vector.broadcast %broadcast_in_dim3A_187 : vector<256x8x1xf32> to vector<256x8x64xf32>
    %sub3A_190 = vector.broadcast %broadcast_in_dim3A_188 : vector<256x1x64xf32> to vector<256x8x64xf32>
    %sub3A_191 = arith.subf %sub3A_189, %sub3A_190 : vector<256x8x64xf32>
    %broadcast_in_dim3A_192 = vector.shape_cast %slice3A_181 : vector<256x8xf32> to vector<256x8x1xf32>
    %broadcast_in_dim3A_193 = vector.shape_cast %dot_general3A_34 : vector<256x64xf32> to vector<256x1x64xf32>
    %sub3A_194 = vector.broadcast %broadcast_in_dim3A_192 : vector<256x8x1xf32> to vector<256x8x64xf32>
    %sub3A_195 = vector.broadcast %broadcast_in_dim3A_193 : vector<256x1x64xf32> to vector<256x8x64xf32>
    %sub3A_196 = arith.subf %sub3A_194, %sub3A_195 : vector<256x8x64xf32>
    %mul3A_197 = arith.mulf %sub3A_186, %sub3A_186 : vector<256x8x64xf32>
    %mul3A_198 = arith.mulf %sub3A_191, %sub3A_191 : vector<256x8x64xf32>
    %add3A_199 = arith.addf %mul3A_197, %mul3A_198 : vector<256x8x64xf32>
    %mul3A_200 = arith.mulf %sub3A_196, %sub3A_196 : vector<256x8x64xf32>
    %add3A_201 = arith.addf %add3A_199, %mul3A_200 : vector<256x8x64xf32>
    %reduce_min3A_202 = arith.constant dense<0x7F800000> : vector<256x8xf32>
    %reduce_min3A_203 = vector.multi_reduction <minimumf>, %add3A_201, %reduce_min3A_202 [2] : vector<256x8x64xf32> to vector<256x8xf32>
    %slice3A_204 = vector.extract_strided_slice %dot_general3A_24 {offsets = [0, 56], sizes = [256, 8], strides = [1, 1]} : vector<256x64xf32> to vector<256x8xf32>
    %slice3A_205 = vector.extract_strided_slice %dot_general3A_26 {offsets = [0, 56], sizes = [256, 8], strides = [1, 1]} : vector<256x64xf32> to vector<256x8xf32>
    %slice3A_206 = vector.extract_strided_slice %dot_general3A_28 {offsets = [0, 56], sizes = [256, 8], strides = [1, 1]} : vector<256x64xf32> to vector<256x8xf32>
    %broadcast_in_dim3A_207 = vector.shape_cast %slice3A_204 : vector<256x8xf32> to vector<256x8x1xf32>
    %broadcast_in_dim3A_208 = vector.shape_cast %dot_general3A_30 : vector<256x64xf32> to vector<256x1x64xf32>
    %sub3A_209 = vector.broadcast %broadcast_in_dim3A_207 : vector<256x8x1xf32> to vector<256x8x64xf32>
    %sub3A_210 = vector.broadcast %broadcast_in_dim3A_208 : vector<256x1x64xf32> to vector<256x8x64xf32>
    %sub3A_211 = arith.subf %sub3A_209, %sub3A_210 : vector<256x8x64xf32>
    %broadcast_in_dim3A_212 = vector.shape_cast %slice3A_205 : vector<256x8xf32> to vector<256x8x1xf32>
    %broadcast_in_dim3A_213 = vector.shape_cast %dot_general3A_32 : vector<256x64xf32> to vector<256x1x64xf32>
    %sub3A_214 = vector.broadcast %broadcast_in_dim3A_212 : vector<256x8x1xf32> to vector<256x8x64xf32>
    %sub3A_215 = vector.broadcast %broadcast_in_dim3A_213 : vector<256x1x64xf32> to vector<256x8x64xf32>
    %sub3A_216 = arith.subf %sub3A_214, %sub3A_215 : vector<256x8x64xf32>
    %broadcast_in_dim3A_217 = vector.shape_cast %slice3A_206 : vector<256x8xf32> to vector<256x8x1xf32>
    %broadcast_in_dim3A_218 = vector.shape_cast %dot_general3A_34 : vector<256x64xf32> to vector<256x1x64xf32>
    %sub3A_219 = vector.broadcast %broadcast_in_dim3A_217 : vector<256x8x1xf32> to vector<256x8x64xf32>
    %sub3A_220 = vector.broadcast %broadcast_in_dim3A_218 : vector<256x1x64xf32> to vector<256x8x64xf32>
    %sub3A_221 = arith.subf %sub3A_219, %sub3A_220 : vector<256x8x64xf32>
    %mul3A_222 = arith.mulf %sub3A_211, %sub3A_211 : vector<256x8x64xf32>
    %mul3A_223 = arith.mulf %sub3A_216, %sub3A_216 : vector<256x8x64xf32>
    %add3A_224 = arith.addf %mul3A_222, %mul3A_223 : vector<256x8x64xf32>
    %mul3A_225 = arith.mulf %sub3A_221, %sub3A_221 : vector<256x8x64xf32>
    %add3A_226 = arith.addf %add3A_224, %mul3A_225 : vector<256x8x64xf32>
    %reduce_min3A_227 = arith.constant dense<0x7F800000> : vector<256x8xf32>
    %reduce_min3A_228 = vector.multi_reduction <minimumf>, %add3A_226, %reduce_min3A_227 [2] : vector<256x8x64xf32> to vector<256x8xf32>
    %concatenate3A = tpu.concatenate %reduce_min3A_53, %reduce_min3A_78, %reduce_min3A_103, %reduce_min3A_128, %reduce_min3A_153, %reduce_min3A_178, %reduce_min3A_203, %reduce_min3A_228 in 1 : vector<256x8xf32>, vector<256x8xf32>, vector<256x8xf32>, vector<256x8xf32>, vector<256x8xf32>, vector<256x8xf32>, vector<256x8xf32>, vector<256x8xf32> -> vector<256x64xf32>
    %reduce_min3A_229 = arith.constant dense<0x7F800000> : vector<256xf32>
    %reduce_min3A_230 = vector.multi_reduction <minimumf>, %concatenate3A, %reduce_min3A_229 [1] : vector<256x64xf32> to vector<256xf32>
    %broadcast_in_dim3A_231 = vector.shape_cast %reduce_min3A_230 : vector<256xf32> to vector<256x1xf32>
    %iota3A_232 = tpu.iota {dimensions = array<i32: 1>} : vector<256x64xi32>
    %eq3A_233 = vector.broadcast %broadcast_in_dim3A_231 : vector<256x1xf32> to vector<256x64xf32>
    %eq3A_234 = arith.cmpf oeq, %concatenate3A, %eq3A_233 : vector<256x64xf32>
    %jit3A = arith.constant 1073741824 : i32
    %broadcast_in_dim3A_235 = vector.broadcast %jit3A : i32 to vector<256x64xi32>
    %select_n3A = arith.select %eq3A_234, %iota3A_232, %broadcast_in_dim3A_235 : vector<256x64xi1>, vector<256x64xi32>
    %reduce_min3A_236 = arith.constant dense<2147483647> : vector<256xi32>
    %reduce_min3A_237 = vector.multi_reduction <minsi>, %select_n3A, %reduce_min3A_236 [1] : vector<256x64xi32> to vector<256xi32>
    %broadcast_in_dim3A_238 = vector.shape_cast %reduce_min3A_237 : vector<256xi32> to vector<256x1xi32>
    %eq3A_239 = vector.broadcast %broadcast_in_dim3A_238 : vector<256x1xi32> to vector<256x64xi32>
    %eq3A_240 = arith.cmpi eq, %iota3A_232, %eq3A_239 : vector<256x64xi32>
    %convert_element_type3A_241 = arith.extui %eq3A_240 : vector<256x64xi1> to vector<256x64xi32>
    %convert_element_type3A_242 = arith.sitofp %convert_element_type3A_241 : vector<256x64xi32> to vector<256x64xf32>
    %mul3A_243 = arith.mulf %convert_element_type3A_242, %dot_general3A_24 : vector<256x64xf32>
    %reduce_sum3A = arith.constant dense<0.000000e+00> : vector<256xf32>
    %reduce_sum3A_244 = vector.multi_reduction <add>, %mul3A_243, %reduce_sum3A [1] : vector<256x64xf32> to vector<256xf32>
    %broadcast_in_dim3A_245 = vector.shape_cast %reduce_sum3A_244 : vector<256xf32> to vector<256x1xf32>
    %mul3A_246 = arith.mulf %convert_element_type3A_242, %dot_general3A_26 : vector<256x64xf32>
    %reduce_sum3A_247 = arith.constant dense<0.000000e+00> : vector<256xf32>
    %reduce_sum3A_248 = vector.multi_reduction <add>, %mul3A_246, %reduce_sum3A_247 [1] : vector<256x64xf32> to vector<256xf32>
    %broadcast_in_dim3A_249 = vector.shape_cast %reduce_sum3A_248 : vector<256xf32> to vector<256x1xf32>
    %mul3A_250 = arith.mulf %convert_element_type3A_242, %dot_general3A_28 : vector<256x64xf32>
    %reduce_sum3A_251 = arith.constant dense<0.000000e+00> : vector<256xf32>
    %reduce_sum3A_252 = vector.multi_reduction <add>, %mul3A_250, %reduce_sum3A_251 [1] : vector<256x64xf32> to vector<256xf32>
    %broadcast_in_dim3A_253 = vector.shape_cast %reduce_sum3A_252 : vector<256xf32> to vector<256x1xf32>
    %sub3A_254 = vector.broadcast %broadcast_in_dim3A_245 : vector<256x1xf32> to vector<256x64xf32>
    %sub3A_255 = arith.subf %sub3A_254, %dot_general3A_30 : vector<256x64xf32>
    %sub3A_256 = vector.broadcast %broadcast_in_dim3A_249 : vector<256x1xf32> to vector<256x64xf32>
    %sub3A_257 = arith.subf %sub3A_256, %dot_general3A_32 : vector<256x64xf32>
    %sub3A_258 = vector.broadcast %broadcast_in_dim3A_253 : vector<256x1xf32> to vector<256x64xf32>
    %sub3A_259 = arith.subf %sub3A_258, %dot_general3A_34 : vector<256x64xf32>
    %mul3A_260 = arith.mulf %sub3A_255, %sub3A_255 : vector<256x64xf32>
    %mul3A_261 = arith.mulf %sub3A_257, %sub3A_257 : vector<256x64xf32>
    %add3A_262 = arith.addf %mul3A_260, %mul3A_261 : vector<256x64xf32>
    %mul3A_263 = arith.mulf %sub3A_259, %sub3A_259 : vector<256x64xf32>
    %add3A_264 = arith.addf %add3A_262, %mul3A_263 : vector<256x64xf32>
    %eq3A_265 = vector.broadcast %broadcast_in_dim3A_231 : vector<256x1xf32> to vector<256x64xf32>
    %eq3A_266 = arith.cmpf oeq, %add3A_264, %eq3A_265 : vector<256x64xf32>
    %jit3A_267 = arith.constant 1073741824 : i32
    %broadcast_in_dim3A_268 = vector.broadcast %jit3A_267 : i32 to vector<256x64xi32>
    %select_n3A_269 = arith.select %eq3A_266, %iota3A_232, %broadcast_in_dim3A_268 : vector<256x64xi1>, vector<256x64xi32>
    %reduce_min3A_270 = arith.constant dense<2147483647> : vector<256xi32>
    %reduce_min3A_271 = vector.multi_reduction <minsi>, %select_n3A_269, %reduce_min3A_270 [1] : vector<256x64xi32> to vector<256xi32>
    %broadcast_in_dim3A_272 = vector.shape_cast %reduce_min3A_271 : vector<256xi32> to vector<256x1xi32>
    %eq3A_273 = vector.broadcast %broadcast_in_dim3A_272 : vector<256x1xi32> to vector<256x64xi32>
    %eq3A_274 = arith.cmpi eq, %iota3A_232, %eq3A_273 : vector<256x64xi32>
    %convert_element_type3A_275 = arith.extui %eq3A_274 : vector<256x64xi1> to vector<256x64xi32>
    %convert_element_type3A_276 = arith.sitofp %convert_element_type3A_275 : vector<256x64xi32> to vector<256x64xf32>
    %mul3A_277 = arith.mulf %convert_element_type3A_276, %dot_general3A_30 : vector<256x64xf32>
    %reduce_sum3A_278 = arith.constant dense<0.000000e+00> : vector<256xf32>
    %reduce_sum3A_279 = vector.multi_reduction <add>, %mul3A_277, %reduce_sum3A_278 [1] : vector<256x64xf32> to vector<256xf32>
    %broadcast_in_dim3A_280 = vector.shape_cast %reduce_sum3A_279 : vector<256xf32> to vector<256x1xf32>
    %mul3A_281 = arith.mulf %convert_element_type3A_276, %dot_general3A_32 : vector<256x64xf32>
    %reduce_sum3A_282 = arith.constant dense<0.000000e+00> : vector<256xf32>
    %reduce_sum3A_283 = vector.multi_reduction <add>, %mul3A_281, %reduce_sum3A_282 [1] : vector<256x64xf32> to vector<256xf32>
    %broadcast_in_dim3A_284 = vector.shape_cast %reduce_sum3A_283 : vector<256xf32> to vector<256x1xf32>
    %mul3A_285 = arith.mulf %convert_element_type3A_276, %dot_general3A_34 : vector<256x64xf32>
    %reduce_sum3A_286 = arith.constant dense<0.000000e+00> : vector<256xf32>
    %reduce_sum3A_287 = vector.multi_reduction <add>, %mul3A_285, %reduce_sum3A_286 [1] : vector<256x64xf32> to vector<256xf32>
    %broadcast_in_dim3A_288 = vector.shape_cast %reduce_sum3A_287 : vector<256xf32> to vector<256x1xf32>
    %sub3A_289 = arith.subf %broadcast_in_dim3A_245, %broadcast_in_dim3A_280 : vector<256x1xf32>
    %sub3A_290 = arith.subf %broadcast_in_dim3A_249, %broadcast_in_dim3A_284 : vector<256x1xf32>
    %sub3A_291 = arith.subf %broadcast_in_dim3A_253, %broadcast_in_dim3A_288 : vector<256x1xf32>
    %mul3A_292 = arith.mulf %sub3A_289, %sub3A_289 : vector<256x1xf32>
    %mul3A_293 = arith.mulf %sub3A_290, %sub3A_290 : vector<256x1xf32>
    %add3A_294 = arith.addf %mul3A_292, %mul3A_293 : vector<256x1xf32>
    %mul3A_295 = arith.mulf %sub3A_291, %sub3A_291 : vector<256x1xf32>
    %add3A_296 = arith.addf %add3A_294, %mul3A_295 : vector<256x1xf32>
    %sqrt3A = math.sqrt %add3A_296 : vector<256x1xf32>
    %max3A = arith.constant 1.000000e-30 : f32
    %max3A_297 = vector.broadcast %max3A : f32 to vector<256x1xf32>
    %max3A_298 = arith.maximumf %sqrt3A, %max3A_297 : vector<256x1xf32>
    %gt3A = arith.constant 0.000000e+00 : f32
    %gt3A_299 = vector.broadcast %gt3A : f32 to vector<256x1xf32>
    %gt3A_300 = arith.cmpf ogt, %sqrt3A, %gt3A_299 : vector<256x1xf32>
    %div3A = arith.divf %sub3A_289, %max3A_298 : vector<256x1xf32>
    %select_n3A_301 = arith.select %gt3A_300, %div3A, %sub3A_289 : vector<256x1xi1>, vector<256x1xf32>
    %div3A_302 = arith.divf %sub3A_290, %max3A_298 : vector<256x1xf32>
    %select_n3A_303 = arith.select %gt3A_300, %div3A_302, %sub3A_290 : vector<256x1xi1>, vector<256x1xf32>
    %div3A_304 = arith.divf %sub3A_291, %max3A_298 : vector<256x1xf32>
    %select_n3A_305 = arith.select %gt3A_300, %div3A_304, %sub3A_291 : vector<256x1xi1>, vector<256x1xf32>
    %mul3A_306 = arith.mulf %select_n3A_301, %select_n3A_301 : vector<256x1xf32>
    %mul3A_307 = arith.mulf %select_n3A_301, %select_n3A_303 : vector<256x1xf32>
    %mul3A_308 = arith.mulf %select_n3A_301, %select_n3A_305 : vector<256x1xf32>
    %mul3A_309 = arith.mulf %select_n3A_303, %select_n3A_301 : vector<256x1xf32>
    %mul3A_310 = arith.mulf %select_n3A_303, %select_n3A_303 : vector<256x1xf32>
    %mul3A_311 = arith.mulf %select_n3A_303, %select_n3A_305 : vector<256x1xf32>
    %mul3A_312 = arith.mulf %select_n3A_305, %select_n3A_301 : vector<256x1xf32>
    %mul3A_313 = arith.mulf %select_n3A_305, %select_n3A_303 : vector<256x1xf32>
    %mul3A_314 = arith.mulf %select_n3A_305, %select_n3A_305 : vector<256x1xf32>
    %concatenate3A_315 = tpu.concatenate %broadcast_in_dim3A_245, %broadcast_in_dim3A_249, %broadcast_in_dim3A_253, %broadcast_in_dim3A_280, %broadcast_in_dim3A_284, %broadcast_in_dim3A_288, %select_n3A_301, %select_n3A_303, %select_n3A_305, %sqrt3A, %mul3A_306, %mul3A_307, %mul3A_308, %mul3A_309, %mul3A_310, %mul3A_311, %mul3A_312, %mul3A_313, %mul3A_314 in 1 : vector<256x1xf32>, vector<256x1xf32>, vector<256x1xf32>, vector<256x1xf32>, vector<256x1xf32>, vector<256x1xf32>, vector<256x1xf32>, vector<256x1xf32>, vector<256x1xf32>, vector<256x1xf32>, vector<256x1xf32>, vector<256x1xf32>, vector<256x1xf32>, vector<256x1xf32>, vector<256x1xf32>, vector<256x1xf32>, vector<256x1xf32>, vector<256x1xf32>, vector<256x1xf32> -> vector<256x19xf32>
    %swap3A = arith.constant 0 : index
    %swap3A_316 = arith.constant 0 : index
    %swap3A_317 = vector.load %arg6[%swap3A, %swap3A_316] : memref<256x19xf32, #tpu.memory_space<vmem>>, vector<256x19xf32>
    tpu.vector_store %arg6[%swap3A, %swap3A_316], %concatenate3A_315 {strides = array<i32>} : memref<256x19xf32, #tpu.memory_space<vmem>>, vector<256x19xf32>,
    return
  }
  func.func @transform_0(%arg0: i32) -> (i32, i32, i32) {
    %c0_i32 = arith.constant 0 : i32
    %c0_i32_0 = arith.constant 0 : i32
    %c0_i32_1 = arith.constant 0 : i32
    return %arg0, %c0_i32, %c0_i32_0 : i32, i32, i32
  }
  func.func @transform_1(%arg0: i32) -> (i32, i32, i32) {
    %c0_i32 = arith.constant 0 : i32
    %c0_i32_0 = arith.constant 0 : i32
    %c0_i32_1 = arith.constant 0 : i32
    return %arg0, %c0_i32, %c0_i32_0 : i32, i32, i32
  }
  func.func @transform_2(%arg0: i32) -> (i32, i32) {
    %c0_i32 = arith.constant 0 : i32
    %c0_i32_0 = arith.constant 0 : i32
    %c0_i32_1 = arith.constant 0 : i32
    return %c0_i32, %c0_i32_0 : i32, i32
  }
  func.func @transform_3(%arg0: i32) -> (i32, i32) {
    %c0_i32 = arith.constant 0 : i32
    %c0_i32_0 = arith.constant 0 : i32
    %c0_i32_1 = arith.constant 0 : i32
    return %c0_i32, %c0_i32_0 : i32, i32
  }
  func.func @transform_4(%arg0: i32) -> (i32, i32) {
    %c0_i32 = arith.constant 0 : i32
    %c0_i32_0 = arith.constant 0 : i32
    %c0_i32_1 = arith.constant 0 : i32
    return %c0_i32, %c0_i32_0 : i32, i32
  }
  func.func @transform_5(%arg0: i32) -> (i32, i32) {
    %c0_i32 = arith.constant 0 : i32
    %c0_i32_0 = arith.constant 0 : i32
    return %arg0, %c0_i32 : i32, i32
  }
}

</mosaic_0001>

<sc_bundles>
// kernel: kernel.4.cloned.1.call-start
scs
__scs_entry_jumppad:
0x0: {  	(pc) =	sbr.rel $0x88, $3  }
0x1: {  	(tag) =	ssettag $0x0;
	lr =	simm.s32 $0x1  }
0x2: {  	[smem:$0x3F9E] =	sst lr;
	_ =	strace $0xD0000000  }
0x3: {  	_ = 	snop  }
0x4: {  	_ = 	snop  }
0x5: {  	_ = 	snop  }
0x6: {  	_ = 	snop  }
0x7: {  	_ = 	snop  }
__scs_overlays_trampoline_lowered:
0x8: {  	[smem:$0x3FAD] =	sst s0  }
0x9: {  	[smem:$0x3FAE] =	sst s1  }
0xa: {  	[smem:$0x3FAF] =	sst s2  }
0xb: {  	[smem:$0x3FB0] =	sst s3  }
0xc: {  	[smem:$0x3FB1] =	sst s4  }
0xd: {  	[smem:$0x3FB2] =	sst s5  }
0xe: {  	[smem:$0x3FB3] =	sst s6  }
0xf: {  	[smem:$0x3FB4] =	sst s7  }
0x10: {  	[smem:$0x3FB5] =	sst s8  }
0x11: {  	[smem:$0x3FB6] =	sst s9;
	s0 =	simm.s32 @!p0 $0x0  }
0x12: {  	s1 =	sld [smem:$0x3F9C];
	s0 =	simm.s32 @p0 $0x1  }
0x13: {  	[smem:$0x3FB7] =	sst s0;
	s0 =	simm.s32 @!p1 $0x0  }
0x14: {  	s2 =	sld [smem:$0x3F9B];
	s0 =	simm.s32 @p1 $0x1  }
0x15: {  	[smem:$0x3FB8] =	sst s0;
	s0 =	simm.s32 @!p2 $0x0  }
0x16: {  	s3 =	sld [smem:$0x3FDB];
	s0 =	simm.s32 @p2 $0x1  }
0x17: {  	s4 =	simm.s32 $0x1BF5;
	[smem:$0x3FBA] =	sst s0  }
0x18: {  	s0 =	sld [smem:$0x3F9D];
	_ =	swait.ge [sflag:s4], $0x0  }
0x19: {  	s7 =	sld [smem:$0x3F9E]  }
0x1a: {  	s8 =	sadd.s32 $0xFFFFE003, lr  }
0x1b: {  	s9 =	sadd.s32 $0xFFFFFEF7, lr;
	s5 =	simm.s32 $0xFFFFFFFF;
	p2 =	slt.u32 s8, $0xFFFFF086  }
0x1c: {  	p1 =	slt.u32 s9, $0xF7A;
	s5 =	simm.s32 @!p2 $0x0  }
0x1d: {  	s5 =	simm.s32 @p1 $0x1;
	p0 =	seq.s32 s7, s2  }
0x1e: {  	s7 =	smul.u32 @!p0 $0xF7A, s2;
	p2 =	seq.s32 @!p0 s5, $0x0  }
0x1f: {  	s9 =	smul.u32 $0xF7A, s1;
	s8 =	simm.s32 @!p0 $0x1BF5;
	p2 =	por !p2, p0  }
0x20: {  	[sflag:s8] =	ssyncset.s32 @!p0 $0xFFFFF086;
	s6 =	sadd.s32 @!p0 s3, s7;
	s7 =	simm.s32 @!p0 $0x108  }
0x21: {  	s3 =	sadd.s32 s3, s9;
	s6 =	sadd.s32 @!p0 $0x88, s6;
	s7 =	simm.s32 @p2 $0x1082  }
0x22: {  	[simem:s7], [sflag:s8] =	dma.local @!p0 [hbm:s6], $0xF7A  }
0x23: {  	s9 =	sor.u32 $0xD0000000, s2;
	s6 =	simm.s32 $0x108;
	_ =	swait.ge @!p0 [sflag:s8], $0x0  }
0x24: {  	s3 =	sadd.s32 $0x88, s3;
	s6 =	simm.s32 @!p1 $0x1082;
	[sflag:s4] =	ssyncset.s32 $0xFFFFF086  }
0x25: {  	[simem:s6], [sflag:s4] =	dma.local [hbm:s3], $0xF7A  }
0x26: {  	[smem:$0x3F9E] =	sst s1;
	(tag) =	ssettag s2;
	_ =	strace s9  }
0x27: {  	s1 =	sld [smem:$0x3FAE]  }
0x28: {  	s2 =	sld [smem:$0x3FAF]  }
0x29: {  	s4 =	sld [smem:$0x3FB1]  }
0x2a: {  	p0 =	seq.s32 s5, $0x0;
	s5 =	sld [smem:$0x3FB2]  }
0x2b: {  	s6 =	sld [smem:$0x3FB3]  }
0x2c: {  	s7 =	sld [smem:$0x3FB4]  }
0x2d: {  	s3 =	simm.s32 $0x108;
	s8 =	sld [smem:$0x3FB5]  }
0x2e: {  	s3 =	simm.s32 @!p0 $0x1082;
	s9 =	sld [smem:$0x3FB6]  }
0x2f: {  	lr =	sadd.s32 s0, s3;
	s0 =	sld [smem:$0x3FAD]  }
0x30: {  	s3 =	sld [smem:$0x3FB0]  }
0x31: {  	[smem:$0x3FB9] =	sst s10  }
0x32: {  	s10 =	sld [smem:$0x3FB7];
	_ =	sdelay $0x3  }
0x33: {  	p0 =	seq.s32 s10, $0x1;
	s10 =	sld [smem:$0x3FB9];
	_ =	sdelay $0x3  }
0x34: {  	[smem:$0x3FB9] =	sst s10  }
0x35: {  	s10 =	sld [smem:$0x3FB8];
	_ =	sdelay $0x3  }
0x36: {  	p1 =	seq.s32 s10, $0x1;
	s10 =	sld [smem:$0x3FB9];
	_ =	sdelay $0x3  }
0x37: {  	[smem:$0x3FB9] =	sst s10  }
0x38: {  	s10 =	sld [smem:$0x3FBA]  }
0x39: {  	_ = 	snop;
	(pc) =	sbr.ind lr, $3  }
0x3a: {  	_ = 	snop  }
0x3b: {  	_ = 	snop  }
0x3c: {  	p2 =	seq.s32 s10, $0x1;
	s10 =	sld [smem:$0x3FB9]  }
0x3d: {  	_ =	shalt  }
0x3e: {  	_ =	shalt  }
0x3f: {  	_ =	shalt  }
0x40: {  	_ =	shalt  }
0x41: {  	_ =	shalt  }
0x42: {  	_ =	shalt  }
0x43: {  	_ =	shalt  }
0x44: {  	_ =	shalt  }
0x45: {  	_ =	shalt  }
0x46: {  	_ =	shalt  }
0x47: {  	_ =	shalt  }
0x48: {  	_ =	shalt  }
0x49: {  	_ =	shalt  }
0x4a: {  	_ =	shalt  }
0x4b: {  	_ =	shalt  }
0x4c: {  	_ =	shalt  }
0x4d: {  	_ =	shalt  }
0x4e: {  	_ =	shalt  }
0x4f: {  	_ =	shalt  }
0x50: {  	_ =	shalt  }
0x51: {  	_ =	shalt  }
0x52: {  	_ =	shalt  }
0x53: {  	_ =	shalt  }
0x54: {  	_ =	shalt  }
0x55: {  	_ =	shalt  }
0x56: {  	_ =	shalt  }
0x57: {  	_ =	shalt  }
0x58: {  	_ =	shalt  }
0x59: {  	_ =	shalt  }
0x5a: {  	_ =	shalt  }
0x5b: {  	_ =	shalt  }
0x5c: {  	_ =	shalt  }
0x5d: {  	_ =	shalt  }
0x5e: {  	_ =	shalt  }
0x5f: {  	_ =	shalt  }
0x60: {  	_ =	shalt  }
0x61: {  	_ =	shalt  }
0x62: {  	_ =	shalt  }
0x63: {  	_ =	shalt  }
0x64: {  	_ =	shalt  }
0x65: {  	_ =	shalt  }
0x66: {  	_ =	shalt  }
0x67: {  	_ =	shalt  }
0x68: {  	_ =	shalt  }
0x69: {  	_ =	shalt  }
0x6a: {  	_ =	shalt  }
0x6b: {  	_ =	shalt  }
0x6c: {  	_ =	shalt  }
0x6d: {  	_ =	shalt  }
0x6e: {  	_ =	shalt  }
0x6f: {  	_ =	shalt  }
0x70: {  	_ =	shalt  }
0x71: {  	_ =	shalt  }
0x72: {  	_ =	shalt  }
0x73: {  	_ =	shalt  }
0x74: {  	_ =	shalt  }
0x75: {  	_ =	shalt  }
0x76: {  	_ =	shalt  }
0x77: {  	_ =	shalt  }
0x78: {  	_ =	shalt  }
0x79: {  	_ =	shalt  }
0x7a: {  	_ =	shalt  }
0x7b: {  	_ =	shalt  }
0x7c: {  	_ =	shalt  }
0x7d: {  	_ =	shalt  }
0x7e: {  	_ =	shalt  }
0x7f: {  	_ =	shalt  }
0x80: {  	_ =	shalt  }
0x81: {  	_ =	shalt  }
0x82: {  	_ =	shalt  }
0x83: {  	_ =	shalt  }
0x84: {  	_ =	shalt  }
0x85: {  	_ =	shalt  }
0x86: {  	_ =	shalt  }
0x87: {  	_ =	shalt  }
.Lfunc_end0:
.L_simem_size_0:
called_computation_lowered:
.L_overlay_start_0:
0x88: {  	s2 =	sld [smem:$0x3FD9]  }
0x89: {  	s3 =	sld [smem:$0x3FFE];
	_ =	sdelay $0x1  }
0x8a: {  	s1 =	srdreg.scid  }
0x8b: {  	s0 =	sand.u32 $0x1, s1  }
0x8c: {  	s17 =	sshll.u32 s0, $0xA;
	s2 =	sadd.s32 s3, s2  }
0x8d: {  	s2 =	sadd.s32 s2, s17  }
0x8e: {  	[smem:$0x3FC5] =	sst s2  }
0x8f: {  	_ = 	snop  }
0x90: {  	s2 =	sld [smem:$0x3FD0];
	(tm) =	ssettm $0x1  }
0x91: {  	s18 =	sld [smem:$0x3FFB];
	_ =	sdelay $0x3  }
0x92: {  	_ =	strace s18  }
0x93: {  	s3 =	sld [smem:$0x3FFC];
	_ =	sdelay $0x3  }
0x94: {  	_ =	strace s3  }
0x95: {  	s3 =	sld [smem:$0x3FFD];
	_ =	sdelay $0x3  }
0x96: {  	_ =	strace s3  }
0x97: {  	_ =	strace $0x8FFFFFFF  }
0x98: {  	s19 =	sld [smem:$0x3FDB];
	_ =	sdelay $0x1  }
0x99: {  	s4 =	simm.s32 $_scs_section_size  }
0x9a: {  	s5 =	simm.s32 $_size__tile_overlayer_lowered;
	s6 =	simm.s32 $_tile_overlayer_lowered  }
0x9b: {  	s22 =	simm.s32 $0x1BFF;
	s21 =	sshll.u32 s6, $0x1;
	s3 =	sadd.s32 s4, s19  }
0x9c: {  	s7 =	simm.s32 $0x0;
	s20 =	sshll.u32 s5, $0x1;
	s5 =	sadd.s32 s21, s3  }
0x9d: {  	[timem:s7], [sflag:s22] =	dma.local [hbm:s5], s20  }
0x9e: {  	_ =	swait.ge [sflag:s22], s20  }
0x9f: {  	s4 =	ssub.s32 $0x0, s20;
	[sflag:s22] =	ssyncset.done $0x0  }
0xa0: {  	[sflag:s22] =	ssyncadd.s32 s4;
	_ =	sdelay $0x1  }
0xa1: {  	s23 =	simm.s32 $0x1B8B  }
0xa2: {  	_ =	swait.ge [sflag:s23], $0x1  }
0xa3: {  	[sflag:s23] =	ssyncset.done $0x0  }
0xa4: {  	s25 =	simm.s32 $0x1B8E;
	s24 =	sld [smem:$0x3FFE];
	[sflag:s23] =	ssyncadd.s32 $0xFFFFFFFF  }
0xa5: {  	s26 =	simm.s32 $execute0_lowered;
	[smem:$0x3FD2] =	sst s25  }
0xa6: {  	s5 =	sshll.u32 s26, $0x1;
	_ =	strace $0x80000046;
	[dreg:$0x1] =	wrdreg $0xFFFFFFFF  }
0xa7: {  	s28 =	simm.s32 $_size_execute0_lowered;
	s3 =	sadd.s32 s3, s5;
	[dreg:$0x0] =	wrdreg $0x0  }
0xa8: {  	s5 =	sshll.u32 s28, $0x1;
	[dreg:$0x2] =	wrdreg s3  }
0xa9: {  	[dreg:$0x3] =	wrdreg s5  }
0xaa: {  	[dreg:$0x4] =	wrdreg $0xC0  }
0xab: {  	_ =	task [dreg:s7], $0x5FFFF  }
0xac: {  	[dreg:$0x1] =	wrdreg $0xFFFFFFFF  }
0xad: {  	[dreg:$0x0] =	wrdreg $0x60  }
0xae: {  	[dreg:$0x2] =	wrdreg s24  }
0xaf: {  	[dreg:$0x3] =	wrdreg s2  }
0xb0: {  	[dreg:$0x4] =	wrdreg $0x9  }
0xb1: {  	_ =	task.clear_ibuf [dreg:s7], $0x5FFFF;
	_ =	strace $0x90000046  }
0xb2: {  	s29 =	simm.s32 $0x9;
	_ =	strace $0x80000048  }
0xb3: {  	_ =	swait.ge [sflag:s29], $0x1  }
0xb4: {  	[sflag:s29] =	ssyncadd.s32 $0xFFFFFFFF  }
0xb5: {  	_ =	strace $0x90000048  }
0xb6: {  	_ =	sfence  }
0xb7: {  	s30 =	sld [smem:$0x0];
	_ =	sdelay $0x2  }
0xb8: {  	s31 =	sshll.u32 s1, $0xD;
	s1 =	sshrl.u32 s1, $0x2  }
0xb9: {  	s3 =	sand.u32 $0x4000, s31;
	s1 =	sadd.s32 s1, s30  }
0xba: {  	s0 =	sor.u32 s3, s0;
	s1 =	sshll.u32 s1, $0x11  }
0xbb: {  	s0 =	sor.u32 s1, s0  }
0xbc: {  	s0 =	sadd.s32 $0x8F2B, s0  }
0xbd: {  	[sflag:s0] =	ssyncadd.remote.s32 $0x1  }
0xbe: {  	_ =	sfence.sel $0xFFFF  }
0xbf: {  	[dreg:$0x0] =	wrdreg $0xFFFFFFFF;
	(pc) =	sbr.abs _section_cstart, $3  }
0xc0: {  	[dreg:$0x1] =	wrdreg $0xFFFFFFFF  }
0xc1: {  	_ =	task.clear_ibuf [dreg:s7], $0x2FFFF;
	_ =	strace $0x9FFFFFFF  }
0xc2: {  	(tm) =	ssettm $0x7FFFFFFF  }
0xc3: {  	_ =	shalt  }
tec
execute0_lowered:
.L_overlay_start_1:
0x0: {  	(tag) =	ssettag $0x1  }
0x1: {  	s4 =	rddreg [dreg:$0x0]  }
0x2: {  	s1 =	srdreg.scid;
	s0 =	stileid.u32  }
0x3: {  	s5 =	rddreg [dreg:$0x1];
	s3 =	sand.u32 $0x1, s1;
	s6 =	sshll.u32 s0, $0x1  }
0x4: {  	s2 =	simm.s32 $0x0;
	s1 =	rddreg [dreg:$0x2];
	s6 =	sor.u32 s3, s6  }
0x5: {  	[smem:$0x7FF] =	sst s2;
	s8 =	ssub.s32 $0x2, s3;
	s7 =	smul.u32 $0x7D0, s6  }
0x6: {  	_ =	strace $0x80000047;
	s9 =	sshrl.u32 s8, $0x1;
	s6 =	smul.u32 $0xFA, s6  }
0x7: {  	s3 =	sadd.s32 $0x600, s4;
	s8 =	ssub.s32 s8, s9;
	s9 =	simm.s32 $0x0  }
0x8: {  	s7 =	sadd.s32 s7, s4;
	s4 =	sadd.s32 s5, s6;
	s6 =	smax.u32 s8, $0x1  }
0x9: {  	s8 =	simm.s32 $0x1;
	s5 =	sadd.s32 $0x18E00, s7;
	s7 =	simm.s32 $0x2  }
.LBB2_1:
0xa: {  	[tilespmem:s2], [sflag:$0x2] =	stream.linear.gather [hbm4b:s4+s2], $0x7D0, $0x38;
	[tilespmem:$0x4650] =	vst v63  }
0xb: {  	_ =	swait.ge [sflag:s7], $0x7D0  }
0xc: {  	[sflag:s7] =	ssyncset.done $0x0  }
0xd: {  	s10 =	simm.s32 $0x7D0;
	[sflag:s7] =	ssyncadd.s32 $0xFFFFF830  }
0xe: {  	[tilespmem:s10], [sflag:$0x1] =	stream.indirect.gather [hbm4b:s3+s10], $0x8, s2, s10, $0xb8;
	[tilespmem:$0x4650] =	vst v63  }
0xf: {  	_ =	swait.ge [sflag:s8], $0x3E80  }
0x10: {  	s11 =	simm.s32 $0x1;
	[sflag:s8] =	ssyncset.done $0x0  }
0x11: {  	s13 =	sadd.s32 $0x0, s5;
	s12 =	simm.s32 $0x7D8;
	[sflag:s8] =	ssyncadd.s32 $0xFFFFC180  }
.LBB2_2:
0x12: {  	[hbm4b:s13+s2] =	stream.linear.scatter [tilespmem:s10], [sflag:$0x2], $0x4, $0x38;
	[tilespmem:$0x4650] =	vst v63  }
0x13: {  	s13 =	smov.u32 s11;
	s10 =	smov.u32 s12;
	p0 =	sne.s32 s11, $0x7CF  }
.Ltmp0:
0x14: {  	s11 =	sadd.s32 $0x1, s11;
	(pc) =	sbr.rel @p0 .LBB2_2-.Ltmp0, $2  }
0x15: {  	_ =	sdelay $0x2  }
0x16: {  	s12 =	sadd.s32 $0x8, s12;
	s13 =	sadd.s32 s13, s5  }
0x17: {  	s9 =	sadd.s32 $0x1, s9  }
0x18: {  	p0 =	sne.s32 s9, s6  }
.Ltmp1:
0x19: {  	_ = 	snop;
	(pc) =	sbr.rel @p0 .LBB2_1-.Ltmp1, $4  }
0x1a: {  	[hbm4b:s13+s2] =	stream.linear.scatter [tilespmem:s10], [sflag:$0x2], $0x4, $0x38;
	[tilespmem:$0x4650] =	vst v63  }
0x1b: {  	_ =	swait.ge [sflag:s7], $0x1F40  }
0x1c: {  	[sflag:s7] =	ssyncset.done $0x0  }
0x1d: {  	[sflag:s7] =	ssyncadd.s32 $0xFFFFE0C0  }
0x1e: {  	_ =	sfence.sel $0x180000  }
0x1f: {  	[bflag:$0x0] =	sbarrier.arrive $0xFFFF  }
0x20: {  	p0 =	sne.s32 s0, $0x0;
	_ =	strace $0x90000047  }
0x21: {  	s0 =	sadd.s32 @!p0 $0x100000, s1;
	[bflag:$0x2] =	sbarrier.arrive $0xFFFF  }
0x22: {  	[sflag:s0] =	ssyncadd.tile.s32 @!p0 $0x1;
	_ =	shalt  }
.Lfunc_end2:
_tile_overlayer_lowered:
.L_overlay_start_2:
0x23: {  	(tag) =	ssettag $0x2  }
0x24: {  	s0 =	rddreg [dreg:$0x0];
	s2 =	stileid.u32  }
0x25: {  	s1 =	rddreg [dreg:$0x1];
	p0 =	sne.s32 s2, $0x0  }
0x26: {  	s3 =	rddreg [dreg:$0x2];
	[bflag:$0x3] =	sbarrier.arrive $0xFFFF;
	s2 =	simm.s32 @!p0 $0x1C02  }
0x27: {  	[timem:s3], [sflag:s2] =	dma.local @!p0 [hbm:s0], s1  }
0x28: {  	s0 =	simm.s32 @!p0 $0x2  }
0x29: {  	_ =	swait.ge @!p0 [sflag:s0], s1  }
0x2a: {  	s1 =	ssub.s32 @!p0 $0x0, s1;
	[sflag:s0] =	ssyncset.done @!p0 $0x0  }
0x2b: {  	[sflag:s0] =	ssyncadd.s32 @!p0 s1  }
0x2c: {  	[bflag:$0x3] =	sbarrier.arrive $0xFFFF  }
0x2d: {  	_ =	shalt  }

</sc_bundles>
